<compile_context>
chip_gen: v7x
topology: tpu7x:2x2x1
jax: 0.10.2.dev20260603
libtpu: 0.0.44.dev20260713+nightly
codegen_flags: <defaults>
</compile_context>

<pallas_src>
import jax
import jax.numpy as jnp
from jax import lax
from jax.experimental import pallas as pl
from jax.experimental.pallas import tpu as pltpu
from jax.experimental.pallas import tpu_sc as plsc

N_NODES = 10000
N_EDGES = 320000
N_RBF = 16
EMBED_DIM = 128


_NC, _NS, _L = 2, 16, 16
_NW = _NC * _NS
_EPW = N_EDGES // _NW


_TPW = _EPW // 8
_CT = 50
_NCHUNK = _TPW // _CT


def _sc_gather_body(z_hbm, nbr_hbm, out_hbm, z_v, nb_v, s_v, d_v):
    wid = lax.axis_index("s") * _NC + lax.axis_index("c")
    ebase = wid * _EPW
    tbase = wid * _TPW
    pltpu.sync_copy(z_hbm, z_v)
    lane = lax.iota(jnp.int32, _L)
    t_off = lax.shift_right_logical(lane, 3)
    r_idx = lane & 7
    zero = jnp.zeros((_L,), jnp.int32)
    one = zero + 1

    def chunk(c, carry):
        pltpu.sync_copy(nbr_hbm.at[pl.ds(tbase + c * _CT, _CT), :, :], nb_v)
        obase = c * (_CT * 8)

        def body(k, carry2):
            t_idx = 2 * k + t_off
            src = plsc.load_gather(nb_v, [t_idx, r_idx, zero])
            dst = plsc.load_gather(nb_v, [t_idx, r_idx, one])
            sl = pl.ds(obase + k * _L, _L)
            s_v[sl] = plsc.load_gather(z_v, [src])
            d_v[sl] = plsc.load_gather(z_v, [dst])
            return carry2

        lax.fori_loop(0, _CT * 8 // _L, body, 0, unroll=5)
        return carry

    lax.fori_loop(0, _NCHUNK, chunk, 0)
    pltpu.sync_copy(s_v, out_hbm.at[pl.ds(ebase, _EPW)])
    pltpu.sync_copy(d_v, out_hbm.at[pl.ds(N_EDGES + ebase, _EPW)])


@jax.jit
def _sc_index_gather(z_i32, nbr4):
    mesh = plsc.VectorSubcoreMesh(core_axis_name="c", subcore_axis_name="s")
    return pl.kernel(
        _sc_gather_body,
        out_type=jax.ShapeDtypeStruct((2 * N_EDGES,), jnp.int32),
        mesh=mesh,
        scratch_types=[
            pltpu.VMEM((N_NODES,), jnp.int32),
            pltpu.VMEM((_CT, 8, 2), jnp.int32),
            pltpu.VMEM((_EPW,), jnp.int32),
            pltpu.VMEM((_EPW,), jnp.int32),
        ],
        compiler_params=pltpu.CompilerParams(needs_layout_passes=False),
    )(z_i32, nbr4)



_BLK = 16000


_DOTT = (((0,), (0,)), ((), ()))


def _tc_dense_body(sd_ref, e_ref, t1_ref, t2_ref, wc_ref, b_ref, o_ref):
    s = sd_ref[0:1, :]
    d = sd_ref[1:2, :]
    rows = lax.broadcasted_iota(jnp.int32, (EMBED_DIM, _BLK), 0)
    ohT_s = (rows == s).astype(jnp.float32)
    ohT_d = (rows == d).astype(jnp.float32)
    acc = lax.dot_general(ohT_s, t1_ref[...], _DOTT,
                          preferred_element_type=jnp.float32)
    acc = acc + lax.dot_general(ohT_d, t2_ref[...], _DOTT,
                                preferred_element_type=jnp.float32)
    acc = acc + jnp.dot(e_ref[...], wc_ref[...], preferred_element_type=jnp.float32)
    acc = acc + b_ref[...]
    o_ref[...] = acc * (1.0 / (1.0 + jnp.exp(-acc)))


@jax.jit
def _tc_dense(sd2, e_rbf, t1, t2, w_c, b):
    grid = (N_EDGES // _BLK,)
    return pl.pallas_call(
        _tc_dense_body,
        grid=grid,
        in_specs=[
            pl.BlockSpec((2, _BLK), lambda i: (0, i)),
            pl.BlockSpec((_BLK, N_RBF), lambda i: (i, 0)),
            pl.BlockSpec((EMBED_DIM, EMBED_DIM), lambda i: (0, 0)),
            pl.BlockSpec((EMBED_DIM, EMBED_DIM), lambda i: (0, 0)),
            pl.BlockSpec((N_RBF, EMBED_DIM), lambda i: (0, 0)),
            pl.BlockSpec((1, EMBED_DIM), lambda i: (0, 0)),
        ],
        out_specs=pl.BlockSpec((_BLK, EMBED_DIM), lambda i: (i, 0)),
        out_shape=jax.ShapeDtypeStruct((N_EDGES, EMBED_DIM), jnp.float32),
        compiler_params=pltpu.CompilerParams(
            dimension_semantics=("arbitrary",),
        ),
    )(sd2, e_rbf, t1, t2, w_c, b)


def kernel(e_rbf, z, nbr_list, W_rbf, emb_table, W_edge, b_edge):
    W1 = W_edge[:EMBED_DIM]
    W2 = W_edge[EMBED_DIM : 2 * EMBED_DIM]
    W3 = W_edge[2 * EMBED_DIM :]
    t1 = jnp.zeros((EMBED_DIM, EMBED_DIM), jnp.float32).at[:100].set(emb_table @ W1)
    t2 = jnp.zeros((EMBED_DIM, EMBED_DIM), jnp.float32).at[:100].set(emb_table @ W2)
    w_c = W_rbf @ W3
    b = b_edge.reshape(1, EMBED_DIM)

    z_i32 = z.astype(jnp.int32)
    sd = _sc_index_gather(z_i32, nbr_list.reshape(N_EDGES // 8, 8, 2))
    return _tc_dense(sd.reshape(2, N_EDGES), e_rbf, t1, t2, w_c, b)

# --- scband reference (transcript-rebuilt; emitter-appended) ---
"""Pipeline reference for scband-embedding-block-13005160972691 (READ-ONLY COPY).

The authoritative reference and input builder live on the scoring server;
editing this copy changes nothing except your own understanding.
"""

import jax, jax.numpy as jnp
import numpy as np

N_NODES = 10000
N_EDGES = 320000
N_RBF = 16
EMBED_DIM = 128

def swish(x):
    return x * jax.nn.sigmoid(x)

def setup_inputs(seed: int = 0) -> dict:
    key = jax.random.key(seed)
    k1, k2, k3, k4, k5, k6, k7 = jax.random.split(key, 7)
    e_rbf = jax.random.normal(k1, (N_EDGES, N_RBF), dtype=jnp.float32)
    z = jax.random.randint(k2, (N_NODES,), 0, 100, dtype=jnp.int64) if jax.config.jax_enable_x64 else jax.random.randint(k2, (N_NODES,), 0, 100, dtype=jnp.int32)
    nbr_list = jax.random.randint(k3, (N_EDGES, 2), 0, N_NODES, dtype=jnp.int32)
    # edge_dense: Linear(n_rbf -> embed_dim, bias=False)
    W_rbf = jax.random.normal(k4, (N_RBF, EMBED_DIM), dtype=jnp.float32) * (1.0 / np.sqrt(N_RBF))
    # node embedding table: nn.Embedding(100, embed_dim, padding_idx=0)
    emb_table = jax.random.normal(k5, (100, EMBED_DIM), dtype=jnp.float32)
    emb_table = emb_table.at[0].set(0.0)  # padding_idx=0
    # edge_embedding.dense: Linear(3*embed_dim -> embed_dim, bias=True) + swish
    W_edge = jax.random.normal(k6, (3 * EMBED_DIM, EMBED_DIM), dtype=jnp.float32) * (1.0 / np.sqrt(3 * EMBED_DIM))
    b_edge = jax.random.normal(k7, (EMBED_DIM,), dtype=jnp.float32) * 0.01
    return {"e_rbf": e_rbf, "z": z, "nbr_list": nbr_list, "W_rbf": W_rbf,
            "emb_table": emb_table, "W_edge": W_edge, "b_edge": b_edge}

def reference(e_rbf, z, nbr_list, W_rbf, emb_table, W_edge, b_edge):
    # e = self.edge_dense(e_rbf)   (no bias, no activation)
    e = e_rbf @ W_rbf
    # h = self.node_embedding(z)   (embedding gather)
    h = jnp.take(emb_table, z, axis=0)
    # m_ji = cat(h[nbr[:,0]], h[nbr[:,1]], e) -> Dense(3d -> d, bias) -> swish
    h_src = jnp.take(h, nbr_list[:, 0], axis=0)
    h_dst = jnp.take(h, nbr_list[:, 1], axis=0)
    m_ji = jnp.concatenate((h_src, h_dst, e), axis=-1)
    m_ji = m_ji @ W_edge + b_edge
    m_ji = swish(m_ji)
    return m_ji

if __name__ == "__main__":
    import jax
    _d = setup_inputs()
    print(jax.jit(kernel)(*tuple(_d.values())))

</pallas_src>

<mosaic_0001>
#map = affine_map<(d0, d1) -> (0)>
#map1 = affine_map<(d0, d1) -> (0, 0, 0)>
module attributes {stable_mosaic.version = 14 : i64} {
  func.func @_sc_gather_body(%arg0: i32, %arg1: i32, %arg2: memref<10000xi32, #tpu.memory_space<hbm>>, %arg3: memref<40000x8x2xi32, #tpu.memory_space<hbm>>, %arg4: memref<640000xi32, #tpu.memory_space<hbm>>, %arg5: memref<10000xi32, #tpu.memory_space<vmem>>, %arg6: memref<50x8x2xi32, #tpu.memory_space<vmem>>, %arg7: memref<10000xi32, #tpu.memory_space<vmem>>, %arg8: memref<10000xi32, #tpu.memory_space<vmem>>) attributes {dimension_semantics = [#tpu.dimension_semantics<core_parallel>, #tpu.dimension_semantics<subcore_parallel>], iteration_bounds = array<i64: 2, 16>, scalar_prefetch = 0 : i64, scratch_operands = 4 : i64, tpu.core_type = #tpu.core_type<sc_vector_subcore>, window_params = [{transform_indices = #map}, {transform_indices = #map1}, {transform_indices = #map}]} {
    %mul3A = arith.constant 2 : i32
    %mul3A_0 = arith.muli %arg1, %mul3A : i32
    %add3A = arith.addi %mul3A_0, %arg0 : i32
    %mul3A_1 = arith.constant 10000 : i32
    %mul3A_2 = arith.muli %add3A, %mul3A_1 : i32
    %mul3A_3 = arith.constant 1250 : i32
    %mul3A_4 = arith.muli %add3A, %mul3A_3 : i32
    "tpu.region"() ({
      %run_scoped3A = tpu.sem_alloc : memref<!tpu.dma_semaphore, #tpu.memory_space<semaphore_mem>>
      tpu.enqueue_dma source(%arg2 : memref<10000xi32, #tpu.memory_space<hbm>>) target(%arg5 : memref<10000xi32, #tpu.memory_space<vmem>>) target_semaphore(%run_scoped3A : memref<!tpu.dma_semaphore, #tpu.memory_space<semaphore_mem>>)
      tpu.wait_dma2 semaphore(%run_scoped3A : memref<!tpu.dma_semaphore, #tpu.memory_space<semaphore_mem>>) src(%arg2 : memref<10000xi32, #tpu.memory_space<hbm>>) dst(%arg5 : memref<10000xi32, #tpu.memory_space<vmem>>)
      tpu.yield
    }) : () -> ()
    %iota3A = tpu.iota {dimensions = array<i32: 0>} : vector<16xi32>
    %shift_right_logical3A = arith.constant 3 : i32
    %shift_right_logical3A_5 = vector.broadcast %shift_right_logical3A : i32 to vector<16xi32>
    %shift_right_logical3A_6 = arith.shrui %iota3A, %shift_right_logical3A_5 : vector<16xi32>
    %and3A = arith.constant 7 : i32
    %and3A_7 = vector.broadcast %and3A : i32 to vector<16xi32>
    %and3A_8 = arith.andi %iota3A, %and3A_7 : vector<16xi32>
    %broadcast_in_dim3A = arith.constant 0 : i32
    %broadcast_in_dim3A_9 = vector.broadcast %broadcast_in_dim3A : i32 to vector<16xi32>
    %add3A_10 = arith.constant 1 : i32
    %add3A_11 = vector.broadcast %add3A_10 : i32 to vector<16xi32>
    %add3A_12 = arith.addi %broadcast_in_dim3A_9, %add3A_11 : vector<16xi32>
    %scan3A = arith.constant 0 : i32
    %scan3A_13 = arith.constant 0 : i32
    %scan3A_14 = arith.constant 25 : i32
    %scan3A_15 = arith.addi %scan3A_13, %scan3A_14 : i32
    %scan3A_16 = arith.constant 1 : i32
    scf.for %scan3A_20 = %scan3A_13 to %scan3A_15 step %scan3A_16  : i32 {
      %mul3A_21 = arith.constant 50 : i32
      %mul3A_22 = arith.muli %scan3A_20, %mul3A_21 : i32
      %add3A_23 = arith.addi %mul3A_4, %mul3A_22 : i32
      "tpu.region"() ({
        %run_scoped3A = tpu.sem_alloc : memref<!tpu.dma_semaphore, #tpu.memory_space<semaphore_mem>>
        %dma_start3A = arith.constant 0 : i32
        %dma_start3A_32 = arith.constant 0 : i32
        %dma_start3A_33 = tpu.memref_slice %arg3[%add3A_23, %dma_start3A, %dma_start3A_32] : memref<40000x8x2xi32, #tpu.memory_space<hbm>> -> memref<50x8x2xi32, #tpu.memory_space<hbm>>
        %dma_start3A_34 = arith.constant 0 : i32
        %dma_start3A_35 = arith.constant 0 : i32
        %dma_start3A_36 = tpu.memref_slice %arg3[%add3A_23, %dma_start3A_34, %dma_start3A_35] : memref<40000x8x2xi32, #tpu.memory_space<hbm>> -> memref<50x8x2xi32, #tpu.memory_space<hbm>>
        tpu.enqueue_dma source(%dma_start3A_36 : memref<50x8x2xi32, #tpu.memory_space<hbm>>) target(%arg6 : memref<50x8x2xi32, #tpu.memory_space<vmem>>) target_semaphore(%run_scoped3A : memref<!tpu.dma_semaphore, #tpu.memory_space<semaphore_mem>>)
        %dma_wait3A = arith.constant 0 : i32
        %dma_wait3A_37 = arith.constant 0 : i32
        %dma_wait3A_38 = tpu.memref_slice %arg3[%add3A_23, %dma_wait3A, %dma_wait3A_37] : memref<40000x8x2xi32, #tpu.memory_space<hbm>> -> memref<50x8x2xi32, #tpu.memory_space<hbm>>
        %dma_wait3A_39 = arith.constant 0 : i32
        %dma_wait3A_40 = arith.constant 0 : i32
        %dma_wait3A_41 = tpu.memref_slice %arg3[%add3A_23, %dma_wait3A_39, %dma_wait3A_40] : memref<40000x8x2xi32, #tpu.memory_space<hbm>> -> memref<50x8x2xi32, #tpu.memory_space<hbm>>
        tpu.wait_dma2 semaphore(%run_scoped3A : memref<!tpu.dma_semaphore, #tpu.memory_space<semaphore_mem>>) src(%dma_wait3A_41 : memref<50x8x2xi32, #tpu.memory_space<hbm>>) dst(%arg6 : memref<50x8x2xi32, #tpu.memory_space<vmem>>)
        tpu.yield
      }) : () -> ()
      %mul3A_24 = arith.constant 400 : i32
      %mul3A_25 = arith.muli %scan3A_20, %mul3A_24 : i32
      %scan3A_26 = arith.constant 0 : i32
      %scan3A_27 = arith.constant 0 : i32
      %scan3A_28 = arith.constant 25 : i32
      %scan3A_29 = arith.addi %scan3A_27, %scan3A_28 : i32
      %scan3A_30 = arith.constant 5 : i32
      scf.for %scan3A_32 = %scan3A_27 to %scan3A_29 step %scan3A_30  : i32 {
        %mul3A_33 = arith.constant 2 : i32
        %mul3A_34 = arith.muli %mul3A_33, %scan3A_32 : i32
        %add3A_35 = vector.broadcast %mul3A_34 : i32 to vector<16xi32>
        %add3A_36 = arith.addi %add3A_35, %shift_right_logical3A_6 : vector<16xi32>
        %gather3A = tpu.vector_load_idx %arg6[%add3A_36, %and3A_8, %broadcast_in_dim3A_9] : memref<50x8x2xi32, #tpu.memory_space<vmem>>[vector<16xi32>, vector<16xi32>, vector<16xi32>], vector<16xi32>,
        %gather3A_37 = tpu.vector_load_idx %arg6[%add3A_36, %and3A_8, %add3A_12] : memref<50x8x2xi32, #tpu.memory_space<vmem>>[vector<16xi32>, vector<16xi32>, vector<16xi32>], vector<16xi32>,
        %mul3A_38 = arith.constant 16 : i32
        %mul3A_39 = arith.muli %scan3A_32, %mul3A_38 : i32
        %add3A_40 = arith.addi %mul3A_25, %mul3A_39 : i32
        %gather3A_41 = tpu.vector_load_idx %arg5[%gather3A] : memref<10000xi32, #tpu.memory_space<vmem>>[vector<16xi32>], vector<16xi32>,
        %swap3A = arith.index_cast %add3A_40 : i32 to index
        %swap3A_42 = tpu.vector_load %arg7[%swap3A] {strides = array<i32>} : memref<10000xi32, #tpu.memory_space<vmem>>, vector<16xi32>,
        tpu.vector_store %arg7[%swap3A], %gather3A_41 {strides = array<i32>} : memref<10000xi32, #tpu.memory_space<vmem>>, vector<16xi32>,
        %gather3A_43 = tpu.vector_load_idx %arg5[%gather3A_37] : memref<10000xi32, #tpu.memory_space<vmem>>[vector<16xi32>], vector<16xi32>,
        %swap3A_44 = arith.index_cast %add3A_40 : i32 to index
        %swap3A_45 = tpu.vector_load %arg8[%swap3A_44] {strides = array<i32>} : memref<10000xi32, #tpu.memory_space<vmem>>, vector<16xi32>,
        tpu.vector_store %arg8[%swap3A_44], %gather3A_43 {strides = array<i32>} : memref<10000xi32, #tpu.memory_space<vmem>>, vector<16xi32>,
        %scan3A_46 = arith.constant 1 : i32
        %scan3A_47 = arith.addi %scan3A_32, %scan3A_46 : i32
        %mul3A_48 = arith.constant 2 : i32
        %mul3A_49 = arith.muli %mul3A_48, %scan3A_47 : i32
        %add3A_50 = vector.broadcast %mul3A_49 : i32 to vector<16xi32>
        %add3A_51 = arith.addi %add3A_50, %shift_right_logical3A_6 : vector<16xi32>
        %gather3A_52 = tpu.vector_load_idx %arg6[%add3A_51, %and3A_8, %broadcast_in_dim3A_9] : memref<50x8x2xi32, #tpu.memory_space<vmem>>[vector<16xi32>, vector<16xi32>, vector<16xi32>], vector<16xi32>,
        %gather3A_53 = tpu.vector_load_idx %arg6[%add3A_51, %and3A_8, %add3A_12] : memref<50x8x2xi32, #tpu.memory_space<vmem>>[vector<16xi32>, vector<16xi32>, vector<16xi32>], vector<16xi32>,
        %mul3A_54 = arith.constant 16 : i32
        %mul3A_55 = arith.muli %scan3A_47, %mul3A_54 : i32
        %add3A_56 = arith.addi %mul3A_25, %mul3A_55 : i32
        %gather3A_57 = tpu.vector_load_idx %arg5[%gather3A_52] : memref<10000xi32, #tpu.memory_space<vmem>>[vector<16xi32>], vector<16xi32>,
        %swap3A_58 = arith.index_cast %add3A_56 : i32 to index
        %swap3A_59 = tpu.vector_load %arg7[%swap3A_58] {strides = array<i32>} : memref<10000xi32, #tpu.memory_space<vmem>>, vector<16xi32>,
        tpu.vector_store %arg7[%swap3A_58], %gather3A_57 {strides = array<i32>} : memref<10000xi32, #tpu.memory_space<vmem>>, vector<16xi32>,
        %gather3A_60 = tpu.vector_load_idx %arg5[%gather3A_53] : memref<10000xi32, #tpu.memory_space<vmem>>[vector<16xi32>], vector<16xi32>,
        %swap3A_61 = arith.index_cast %add3A_56 : i32 to index
        %swap3A_62 = tpu.vector_load %arg8[%swap3A_61] {strides = array<i32>} : memref<10000xi32, #tpu.memory_space<vmem>>, vector<16xi32>,
        tpu.vector_store %arg8[%swap3A_61], %gather3A_60 {strides = array<i32>} : memref<10000xi32, #tpu.memory_space<vmem>>, vector<16xi32>,
        %scan3A_63 = arith.constant 2 : i32
        %scan3A_64 = arith.addi %scan3A_32, %scan3A_63 : i32
        %mul3A_65 = arith.constant 2 : i32
        %mul3A_66 = arith.muli %mul3A_65, %scan3A_64 : i32
        %add3A_67 = vector.broadcast %mul3A_66 : i32 to vector<16xi32>
        %add3A_68 = arith.addi %add3A_67, %shift_right_logical3A_6 : vector<16xi32>
        %gather3A_69 = tpu.vector_load_idx %arg6[%add3A_68, %and3A_8, %broadcast_in_dim3A_9] : memref<50x8x2xi32, #tpu.memory_space<vmem>>[vector<16xi32>, vector<16xi32>, vector<16xi32>], vector<16xi32>,
        %gather3A_70 = tpu.vector_load_idx %arg6[%add3A_68, %and3A_8, %add3A_12] : memref<50x8x2xi32, #tpu.memory_space<vmem>>[vector<16xi32>, vector<16xi32>, vector<16xi32>], vector<16xi32>,
        %mul3A_71 = arith.constant 16 : i32
        %mul3A_72 = arith.muli %scan3A_64, %mul3A_71 : i32
        %add3A_73 = arith.addi %mul3A_25, %mul3A_72 : i32
        %gather3A_74 = tpu.vector_load_idx %arg5[%gather3A_69] : memref<10000xi32, #tpu.memory_space<vmem>>[vector<16xi32>], vector<16xi32>,
        %swap3A_75 = arith.index_cast %add3A_73 : i32 to index
        %swap3A_76 = tpu.vector_load %arg7[%swap3A_75] {strides = array<i32>} : memref<10000xi32, #tpu.memory_space<vmem>>, vector<16xi32>,
        tpu.vector_store %arg7[%swap3A_75], %gather3A_74 {strides = array<i32>} : memref<10000xi32, #tpu.memory_space<vmem>>, vector<16xi32>,
        %gather3A_77 = tpu.vector_load_idx %arg5[%gather3A_70] : memref<10000xi32, #tpu.memory_space<vmem>>[vector<16xi32>], vector<16xi32>,
        %swap3A_78 = arith.index_cast %add3A_73 : i32 to index
        %swap3A_79 = tpu.vector_load %arg8[%swap3A_78] {strides = array<i32>} : memref<10000xi32, #tpu.memory_space<vmem>>, vector<16xi32>,
        tpu.vector_store %arg8[%swap3A_78], %gather3A_77 {strides = array<i32>} : memref<10000xi32, #tpu.memory_space<vmem>>, vector<16xi32>,
        %scan3A_80 = arith.constant 3 : i32
        %scan3A_81 = arith.addi %scan3A_32, %scan3A_80 : i32
        %mul3A_82 = arith.constant 2 : i32
        %mul3A_83 = arith.muli %mul3A_82, %scan3A_81 : i32
        %add3A_84 = vector.broadcast %mul3A_83 : i32 to vector<16xi32>
        %add3A_85 = arith.addi %add3A_84, %shift_right_logical3A_6 : vector<16xi32>
        %gather3A_86 = tpu.vector_load_idx %arg6[%add3A_85, %and3A_8, %broadcast_in_dim3A_9] : memref<50x8x2xi32, #tpu.memory_space<vmem>>[vector<16xi32>, vector<16xi32>, vector<16xi32>], vector<16xi32>,
        %gather3A_87 = tpu.vector_load_idx %arg6[%add3A_85, %and3A_8, %add3A_12] : memref<50x8x2xi32, #tpu.memory_space<vmem>>[vector<16xi32>, vector<16xi32>, vector<16xi32>], vector<16xi32>,
        %mul3A_88 = arith.constant 16 : i32
        %mul3A_89 = arith.muli %scan3A_81, %mul3A_88 : i32
        %add3A_90 = arith.addi %mul3A_25, %mul3A_89 : i32
        %gather3A_91 = tpu.vector_load_idx %arg5[%gather3A_86] : memref<10000xi32, #tpu.memory_space<vmem>>[vector<16xi32>], vector<16xi32>,
        %swap3A_92 = arith.index_cast %add3A_90 : i32 to index
        %swap3A_93 = tpu.vector_load %arg7[%swap3A_92] {strides = array<i32>} : memref<10000xi32, #tpu.memory_space<vmem>>, vector<16xi32>,
        tpu.vector_store %arg7[%swap3A_92], %gather3A_91 {strides = array<i32>} : memref<10000xi32, #tpu.memory_space<vmem>>, vector<16xi32>,
        %gather3A_94 = tpu.vector_load_idx %arg5[%gather3A_87] : memref<10000xi32, #tpu.memory_space<vmem>>[vector<16xi32>], vector<16xi32>,
        %swap3A_95 = arith.index_cast %add3A_90 : i32 to index
        %swap3A_96 = tpu.vector_load %arg8[%swap3A_95] {strides = array<i32>} : memref<10000xi32, #tpu.memory_space<vmem>>, vector<16xi32>,
        tpu.vector_store %arg8[%swap3A_95], %gather3A_94 {strides = array<i32>} : memref<10000xi32, #tpu.memory_space<vmem>>, vector<16xi32>,
        %scan3A_97 = arith.constant 4 : i32
        %scan3A_98 = arith.addi %scan3A_32, %scan3A_97 : i32
        %mul3A_99 = arith.constant 2 : i32
        %mul3A_100 = arith.muli %mul3A_99, %scan3A_98 : i32
        %add3A_101 = vector.broadcast %mul3A_100 : i32 to vector<16xi32>
        %add3A_102 = arith.addi %add3A_101, %shift_right_logical3A_6 : vector<16xi32>
        %gather3A_103 = tpu.vector_load_idx %arg6[%add3A_102, %and3A_8, %broadcast_in_dim3A_9] : memref<50x8x2xi32, #tpu.memory_space<vmem>>[vector<16xi32>, vector<16xi32>, vector<16xi32>], vector<16xi32>,
        %gather3A_104 = tpu.vector_load_idx %arg6[%add3A_102, %and3A_8, %add3A_12] : memref<50x8x2xi32, #tpu.memory_space<vmem>>[vector<16xi32>, vector<16xi32>, vector<16xi32>], vector<16xi32>,
        %mul3A_105 = arith.constant 16 : i32
        %mul3A_106 = arith.muli %scan3A_98, %mul3A_105 : i32
        %add3A_107 = arith.addi %mul3A_25, %mul3A_106 : i32
        %gather3A_108 = tpu.vector_load_idx %arg5[%gather3A_103] : memref<10000xi32, #tpu.memory_space<vmem>>[vector<16xi32>], vector<16xi32>,
        %swap3A_109 = arith.index_cast %add3A_107 : i32 to index
        %swap3A_110 = tpu.vector_load %arg7[%swap3A_109] {strides = array<i32>} : memref<10000xi32, #tpu.memory_space<vmem>>, vector<16xi32>,
        tpu.vector_store %arg7[%swap3A_109], %gather3A_108 {strides = array<i32>} : memref<10000xi32, #tpu.memory_space<vmem>>, vector<16xi32>,
        %gather3A_111 = tpu.vector_load_idx %arg5[%gather3A_104] : memref<10000xi32, #tpu.memory_space<vmem>>[vector<16xi32>], vector<16xi32>,
        %swap3A_112 = arith.index_cast %add3A_107 : i32 to index
        %swap3A_113 = tpu.vector_load %arg8[%swap3A_112] {strides = array<i32>} : memref<10000xi32, #tpu.memory_space<vmem>>, vector<16xi32>,
        tpu.vector_store %arg8[%swap3A_112], %gather3A_111 {strides = array<i32>} : memref<10000xi32, #tpu.memory_space<vmem>>, vector<16xi32>,
      }
      %scan3A_31 = arith.constant 25 : i32
    }
    %scan3A_17 = arith.constant 25 : i32
    "tpu.region"() ({
      %run_scoped3A = tpu.sem_alloc : memref<!tpu.dma_semaphore, #tpu.memory_space<semaphore_mem>>
      %dma_start3A = tpu.memref_slice %arg4[%mul3A_2] : memref<640000xi32, #tpu.memory_space<hbm>> -> memref<10000xi32, #tpu.memory_space<hbm>>
      %dma_start3A_20 = tpu.memref_slice %arg4[%mul3A_2] : memref<640000xi32, #tpu.memory_space<hbm>> -> memref<10000xi32, #tpu.memory_space<hbm>>
      tpu.enqueue_dma source(%arg7 : memref<10000xi32, #tpu.memory_space<vmem>>) target(%dma_start3A_20 : memref<10000xi32, #tpu.memory_space<hbm>>) target_semaphore(%run_scoped3A : memref<!tpu.dma_semaphore, #tpu.memory_space<semaphore_mem>>)
      %dma_wait3A = tpu.memref_slice %arg4[%mul3A_2] : memref<640000xi32, #tpu.memory_space<hbm>> -> memref<10000xi32, #tpu.memory_space<hbm>>
      %dma_wait3A_21 = tpu.memref_slice %arg4[%mul3A_2] : memref<640000xi32, #tpu.memory_space<hbm>> -> memref<10000xi32, #tpu.memory_space<hbm>>
      tpu.wait_dma2 semaphore(%run_scoped3A : memref<!tpu.dma_semaphore, #tpu.memory_space<semaphore_mem>>) src(%arg7 : memref<10000xi32, #tpu.memory_space<vmem>>) dst(%dma_wait3A_21 : memref<10000xi32, #tpu.memory_space<hbm>>)
      tpu.yield
    }) : () -> ()
    %add3A_18 = arith.constant 320000 : i32
    %add3A_19 = arith.addi %add3A_18, %mul3A_2 : i32
    "tpu.region"() ({
      %run_scoped3A = tpu.sem_alloc : memref<!tpu.dma_semaphore, #tpu.memory_space<semaphore_mem>>
      %dma_start3A = tpu.memref_slice %arg4[%add3A_19] : memref<640000xi32, #tpu.memory_space<hbm>> -> memref<10000xi32, #tpu.memory_space<hbm>>
      %dma_start3A_20 = tpu.memref_slice %arg4[%add3A_19] : memref<640000xi32, #tpu.memory_space<hbm>> -> memref<10000xi32, #tpu.memory_space<hbm>>
      tpu.enqueue_dma source(%arg8 : memref<10000xi32, #tpu.memory_space<vmem>>) target(%dma_start3A_20 : memref<10000xi32, #tpu.memory_space<hbm>>) target_semaphore(%run_scoped3A : memref<!tpu.dma_semaphore, #tpu.memory_space<semaphore_mem>>)
      %dma_wait3A = tpu.memref_slice %arg4[%add3A_19] : memref<640000xi32, #tpu.memory_space<hbm>> -> memref<10000xi32, #tpu.memory_space<hbm>>
      %dma_wait3A_21 = tpu.memref_slice %arg4[%add3A_19] : memref<640000xi32, #tpu.memory_space<hbm>> -> memref<10000xi32, #tpu.memory_space<hbm>>
      tpu.wait_dma2 semaphore(%run_scoped3A : memref<!tpu.dma_semaphore, #tpu.memory_space<semaphore_mem>>) src(%arg8 : memref<10000xi32, #tpu.memory_space<vmem>>) dst(%dma_wait3A_21 : memref<10000xi32, #tpu.memory_space<hbm>>)
      tpu.yield
    }) : () -> ()
    return
  }
}

</mosaic_0001>

<sc_bundles>
// kernel: _sc_index_gather.3.cloned.1.call-start
scs
__scs_entry_jumppad:
0x0: {  	(pc) =	sbr.rel $0x88, $3  }
0x1: {  	(tag) =	ssettag $0x0;
	lr =	simm.s32 $0x1  }
0x2: {  	[smem:$0x3F9F] =	sst lr;
	_ =	strace $0xD0000000  }
0x3: {  	_ = 	snop  }
0x4: {  	_ = 	snop  }
0x5: {  	_ = 	snop  }
0x6: {  	_ = 	snop  }
0x7: {  	_ = 	snop  }
__scs_overlays_trampoline_lowered:
0x8: {  	[smem:$0x3FAE] =	sst s0  }
0x9: {  	[smem:$0x3FAF] =	sst s1  }
0xa: {  	[smem:$0x3FB0] =	sst s2  }
0xb: {  	[smem:$0x3FB1] =	sst s3  }
0xc: {  	[smem:$0x3FB2] =	sst s4  }
0xd: {  	[smem:$0x3FB3] =	sst s5  }
0xe: {  	[smem:$0x3FB4] =	sst s6  }
0xf: {  	[smem:$0x3FB5] =	sst s7  }
0x10: {  	[smem:$0x3FB6] =	sst s8  }
0x11: {  	[smem:$0x3FB7] =	sst s9;
	s0 =	simm.s32 @!p0 $0x0  }
0x12: {  	s1 =	sld [smem:$0x3F9D];
	s0 =	simm.s32 @p0 $0x1  }
0x13: {  	[smem:$0x3FB8] =	sst s0;
	s0 =	simm.s32 @!p1 $0x0  }
0x14: {  	s2 =	sld [smem:$0x3F9C];
	s0 =	simm.s32 @p1 $0x1  }
0x15: {  	[smem:$0x3FB9] =	sst s0;
	s0 =	simm.s32 @!p2 $0x0  }
0x16: {  	s3 =	sld [smem:$0x3FDB];
	s0 =	simm.s32 @p2 $0x1  }
0x17: {  	s4 =	simm.s32 $0x1BF5;
	[smem:$0x3FBB] =	sst s0  }
0x18: {  	s0 =	sld [smem:$0x3F9E];
	_ =	swait.ge [sflag:s4], $0x0  }
0x19: {  	s7 =	sld [smem:$0x3F9F]  }
0x1a: {  	s8 =	sadd.s32 $0xFFFFE003, lr  }
0x1b: {  	s9 =	sadd.s32 $0xFFFFFEF7, lr;
	s5 =	simm.s32 $0xFFFFFFFF;
	p2 =	slt.u32 s8, $0xFFFFF086  }
0x1c: {  	p1 =	slt.u32 s9, $0xF7A;
	s5 =	simm.s32 @!p2 $0x0  }
0x1d: {  	s5 =	simm.s32 @p1 $0x1;
	p0 =	seq.s32 s7, s2  }
0x1e: {  	s7 =	smul.u32 @!p0 $0xF7A, s2;
	p2 =	seq.s32 @!p0 s5, $0x0  }
0x1f: {  	s9 =	smul.u32 $0xF7A, s1;
	s8 =	simm.s32 @!p0 $0x1BF5;
	p2 =	por !p2, p0  }
0x20: {  	[sflag:s8] =	ssyncset.s32 @!p0 $0xFFFFF086;
	s6 =	sadd.s32 @!p0 s3, s7;
	s7 =	simm.s32 @!p0 $0x108  }
0x21: {  	s3 =	sadd.s32 s3, s9;
	s6 =	sadd.s32 @!p0 $0x88, s6;
	s7 =	simm.s32 @p2 $0x1082  }
0x22: {  	[simem:s7], [sflag:s8] =	dma.local @!p0 [hbm:s6], $0xF7A  }
0x23: {  	s9 =	sor.u32 $0xD0000000, s2;
	s6 =	simm.s32 $0x108;
	_ =	swait.ge @!p0 [sflag:s8], $0x0  }
0x24: {  	s3 =	sadd.s32 $0x88, s3;
	s6 =	simm.s32 @!p1 $0x1082;
	[sflag:s4] =	ssyncset.s32 $0xFFFFF086  }
0x25: {  	[simem:s6], [sflag:s4] =	dma.local [hbm:s3], $0xF7A  }
0x26: {  	[smem:$0x3F9F] =	sst s1;
	(tag) =	ssettag s2;
	_ =	strace s9  }
0x27: {  	s1 =	sld [smem:$0x3FAF]  }
0x28: {  	s2 =	sld [smem:$0x3FB0]  }
0x29: {  	s4 =	sld [smem:$0x3FB2]  }
0x2a: {  	p0 =	seq.s32 s5, $0x0;
	s5 =	sld [smem:$0x3FB3]  }
0x2b: {  	s6 =	sld [smem:$0x3FB4]  }
0x2c: {  	s7 =	sld [smem:$0x3FB5]  }
0x2d: {  	s3 =	simm.s32 $0x108;
	s8 =	sld [smem:$0x3FB6]  }
0x2e: {  	s3 =	simm.s32 @!p0 $0x1082;
	s9 =	sld [smem:$0x3FB7]  }
0x2f: {  	lr =	sadd.s32 s0, s3;
	s0 =	sld [smem:$0x3FAE]  }
0x30: {  	s3 =	sld [smem:$0x3FB1]  }
0x31: {  	[smem:$0x3FBA] =	sst s10  }
0x32: {  	s10 =	sld [smem:$0x3FB8];
	_ =	sdelay $0x3  }
0x33: {  	p0 =	seq.s32 s10, $0x1;
	s10 =	sld [smem:$0x3FBA];
	_ =	sdelay $0x3  }
0x34: {  	[smem:$0x3FBA] =	sst s10  }
0x35: {  	s10 =	sld [smem:$0x3FB9];
	_ =	sdelay $0x3  }
0x36: {  	p1 =	seq.s32 s10, $0x1;
	s10 =	sld [smem:$0x3FBA];
	_ =	sdelay $0x3  }
0x37: {  	[smem:$0x3FBA] =	sst s10  }
0x38: {  	s10 =	sld [smem:$0x3FBB]  }
0x39: {  	_ = 	snop;
	(pc) =	sbr.ind lr, $3  }
0x3a: {  	_ = 	snop  }
0x3b: {  	_ = 	snop  }
0x3c: {  	p2 =	seq.s32 s10, $0x1;
	s10 =	sld [smem:$0x3FBA]  }
0x3d: {  	_ =	shalt  }
0x3e: {  	_ =	shalt  }
0x3f: {  	_ =	shalt  }
0x40: {  	_ =	shalt  }
0x41: {  	_ =	shalt  }
0x42: {  	_ =	shalt  }
0x43: {  	_ =	shalt  }
0x44: {  	_ =	shalt  }
0x45: {  	_ =	shalt  }
0x46: {  	_ =	shalt  }
0x47: {  	_ =	shalt  }
0x48: {  	_ =	shalt  }
0x49: {  	_ =	shalt  }
0x4a: {  	_ =	shalt  }
0x4b: {  	_ =	shalt  }
0x4c: {  	_ =	shalt  }
0x4d: {  	_ =	shalt  }
0x4e: {  	_ =	shalt  }
0x4f: {  	_ =	shalt  }
0x50: {  	_ =	shalt  }
0x51: {  	_ =	shalt  }
0x52: {  	_ =	shalt  }
0x53: {  	_ =	shalt  }
0x54: {  	_ =	shalt  }
0x55: {  	_ =	shalt  }
0x56: {  	_ =	shalt  }
0x57: {  	_ =	shalt  }
0x58: {  	_ =	shalt  }
0x59: {  	_ =	shalt  }
0x5a: {  	_ =	shalt  }
0x5b: {  	_ =	shalt  }
0x5c: {  	_ =	shalt  }
0x5d: {  	_ =	shalt  }
0x5e: {  	_ =	shalt  }
0x5f: {  	_ =	shalt  }
0x60: {  	_ =	shalt  }
0x61: {  	_ =	shalt  }
0x62: {  	_ =	shalt  }
0x63: {  	_ =	shalt  }
0x64: {  	_ =	shalt  }
0x65: {  	_ =	shalt  }
0x66: {  	_ =	shalt  }
0x67: {  	_ =	shalt  }
0x68: {  	_ =	shalt  }
0x69: {  	_ =	shalt  }
0x6a: {  	_ =	shalt  }
0x6b: {  	_ =	shalt  }
0x6c: {  	_ =	shalt  }
0x6d: {  	_ =	shalt  }
0x6e: {  	_ =	shalt  }
0x6f: {  	_ =	shalt  }
0x70: {  	_ =	shalt  }
0x71: {  	_ =	shalt  }
0x72: {  	_ =	shalt  }
0x73: {  	_ =	shalt  }
0x74: {  	_ =	shalt  }
0x75: {  	_ =	shalt  }
0x76: {  	_ =	shalt  }
0x77: {  	_ =	shalt  }
0x78: {  	_ =	shalt  }
0x79: {  	_ =	shalt  }
0x7a: {  	_ =	shalt  }
0x7b: {  	_ =	shalt  }
0x7c: {  	_ =	shalt  }
0x7d: {  	_ =	shalt  }
0x7e: {  	_ =	shalt  }
0x7f: {  	_ =	shalt  }
0x80: {  	_ =	shalt  }
0x81: {  	_ =	shalt  }
0x82: {  	_ =	shalt  }
0x83: {  	_ =	shalt  }
0x84: {  	_ =	shalt  }
0x85: {  	_ =	shalt  }
0x86: {  	_ =	shalt  }
0x87: {  	_ =	shalt  }
.Lfunc_end0:
.L_simem_size_0:
called_computation_lowered:
.L_overlay_start_0:
0x88: {  	s2 =	sld [smem:$0x3FD9]  }
0x89: {  	s3 =	sld [smem:$0x3FFE];
	_ =	sdelay $0x1  }
0x8a: {  	s1 =	srdreg.scid  }
0x8b: {  	s0 =	sand.u32 $0x1, s1  }
0x8c: {  	s17 =	sshll.u32 s0, $0xA;
	s2 =	sadd.s32 s3, s2  }
0x8d: {  	s2 =	sadd.s32 s2, s17  }
0x8e: {  	[smem:$0x3FC6] =	sst s2  }
0x8f: {  	_ = 	snop  }
0x90: {  	s2 =	sld [smem:$0x3FC9]  }
0x91: {  	s18 =	sld [smem:$0x3FD0];
	(tm) =	ssettm $0x1  }
0x92: {  	s4 =	sld [smem:$0x3FFB];
	_ =	sdelay $0x3  }
0x93: {  	_ =	strace s4  }
0x94: {  	s4 =	sld [smem:$0x3FFC];
	_ =	sdelay $0x3  }
0x95: {  	_ =	strace s4  }
0x96: {  	s4 =	sld [smem:$0x3FFD];
	_ =	sdelay $0x3  }
0x97: {  	_ =	strace s4  }
0x98: {  	_ =	strace $0x8FFFFFFF  }
0x99: {  	s19 =	sld [smem:$0x3FDB];
	_ =	sdelay $0x1  }
0x9a: {  	s5 =	simm.s32 $_scs_section_size  }
0x9b: {  	s6 =	simm.s32 $_size__tile_overlayer_lowered;
	s7 =	simm.s32 $_tile_overlayer_lowered  }
0x9c: {  	s22 =	simm.s32 $0x1BFF;
	s21 =	sshll.u32 s7, $0x1;
	s4 =	sadd.s32 s5, s19  }
0x9d: {  	s8 =	simm.s32 $0x0;
	s20 =	sshll.u32 s6, $0x1;
	s6 =	sadd.s32 s21, s4  }
0x9e: {  	[timem:s8], [sflag:s22] =	dma.local [hbm:s6], s20  }
0x9f: {  	_ =	swait.ge [sflag:s22], s20  }
0xa0: {  	s5 =	ssub.s32 $0x0, s20;
	[sflag:s22] =	ssyncset.done $0x0  }
0xa1: {  	[sflag:s22] =	ssyncadd.s32 s5;
	_ =	sdelay $0x1  }
0xa2: {  	s23 =	simm.s32 $0x1B8B  }
0xa3: {  	_ =	swait.ge [sflag:s23], $0x1  }
0xa4: {  	[sflag:s23] =	ssyncset.done $0x0  }
0xa5: {  	s25 =	simm.s32 $0x1B8E;
	s24 =	sld [smem:$0x3FFE];
	[sflag:s23] =	ssyncadd.s32 $0xFFFFFFFF  }
0xa6: {  	s26 =	simm.s32 $execute0_lowered;
	[smem:$0x3FD2] =	sst s25  }
0xa7: {  	s6 =	sshll.u32 s26, $0x1;
	_ =	strace $0x80000046;
	[dreg:$0x1] =	wrdreg $0xFFFFFFFF  }
0xa8: {  	s28 =	simm.s32 $_size_execute0_lowered;
	s4 =	sadd.s32 s4, s6;
	[dreg:$0x0] =	wrdreg $0x0  }
0xa9: {  	s6 =	sshll.u32 s28, $0x1;
	[dreg:$0x2] =	wrdreg s4  }
0xaa: {  	[dreg:$0x3] =	wrdreg s6  }
0xab: {  	[dreg:$0x4] =	wrdreg $0xC0  }
0xac: {  	_ =	task [dreg:s8], $0x5FFFF  }
0xad: {  	[dreg:$0x1] =	wrdreg $0xFFFFFFFF  }
0xae: {  	[dreg:$0x0] =	wrdreg $0x60  }
0xaf: {  	[dreg:$0x2] =	wrdreg s2  }
0xb0: {  	[dreg:$0x3] =	wrdreg s24  }
0xb1: {  	[dreg:$0x4] =	wrdreg s18  }
0xb2: {  	[dreg:$0x5] =	wrdreg $0x9  }
0xb3: {  	_ =	task.clear_ibuf [dreg:s8], $0x6FFFF;
	_ =	strace $0x90000046  }
0xb4: {  	s29 =	simm.s32 $0x9;
	_ =	strace $0x80000048  }
0xb5: {  	_ =	swait.ge [sflag:s29], $0x1  }
0xb6: {  	[sflag:s29] =	ssyncadd.s32 $0xFFFFFFFF  }
0xb7: {  	_ =	strace $0x90000048  }
0xb8: {  	_ =	sfence  }
0xb9: {  	s30 =	sld [smem:$0x0];
	_ =	sdelay $0x2  }
0xba: {  	s31 =	sshll.u32 s1, $0xD;
	s1 =	sshrl.u32 s1, $0x2  }
0xbb: {  	s3 =	sand.u32 $0x4000, s31;
	s1 =	sadd.s32 s1, s30  }
0xbc: {  	s0 =	sor.u32 s3, s0;
	s1 =	sshll.u32 s1, $0x11  }
0xbd: {  	s0 =	sor.u32 s1, s0  }
0xbe: {  	s0 =	sadd.s32 $0x8F2B, s0  }
0xbf: {  	[sflag:s0] =	ssyncadd.remote.s32 $0x1  }
0xc0: {  	_ =	sfence.sel $0xFFFF  }
0xc1: {  	[dreg:$0x0] =	wrdreg $0xFFFFFFFF;
	(pc) =	sbr.abs _section_cstart, $3  }
0xc2: {  	[dreg:$0x1] =	wrdreg $0xFFFFFFFF  }
0xc3: {  	_ =	task.clear_ibuf [dreg:s8], $0x2FFFF;
	_ =	strace $0x9FFFFFFF  }
0xc4: {  	(tm) =	ssettm $0x7FFFFFFF  }
0xc5: {  	_ =	shalt  }
tec
execute0_lowered:
.L_overlay_start_1:
0x0: {  	(tag) =	ssettag $0x1  }
0x1: {  	s1 =	rddreg [dreg:$0x0]  }
0x2: {  	s2 =	srdreg.scid;
	s4 =	rddreg [dreg:$0x1]  }
0x3: {  	s0 =	stileid.u32;
	s6 =	rddreg [dreg:$0x2];
	s3 =	simm.s32 $0x0  }
0x4: {  	s10 =	simm.s32 $0x2780;
	s5 =	sand.u32 $0x1, s2;
	s29 =	sshll.u32 s0, $0x1  }
0x5: {  	s11 =	simm.s32 $0xEF80;
	s12 =	simm.s32 $0x11700;
	s7 =	sor.u32 s5, s29  }
0x6: {  	v1 =	vlaneseq.u32;
	s13 =	simm.s32 $0x0;
	s2 =	rddreg [dreg:$0x3];
	s8 =	smul.u32 $0x2710, s7  }
0x7: {  	[smem:$0x7FF] =	sst s3;
	s4 =	sadd.s32 $0x400, s4;
	v0 =	vand.u32 $0x7, v1;
	s9 =	ssub.s32 $0x2, s5  }
0x8: {  	_ =	strace $0x80000047;
	v0 =	vmul.u32 $0x80, v0;
	s31 =	sshrl.u32 s9, $0x1;
	s30 =	sshrl.u32 s8, $0x3  }
0x9: {  	v1 =	vshrl.u32 v1, $0x3;
	s8 =	ssub.s32 s9, s31;
	s9 =	simm.s32 $0x1;
	s5 =	sadd.s32 s6, s30  }
0xa: {  	v1 =	vmul.u32 $0x400, v1;
	v2 =	vor.u32 $0x1, v0;
	s6 =	smul.u32 $0x4E2, s7;
	s8 =	smax.u32 s8, $0x1;
	s7 =	sadd.s32 $0x9C40, s5  }
.LBB2_1:
0xb: {  	[tilespmem:s3], [sflag:$0x1] =	stream.linear.gather [hbm4b:s1+s3], $0x2780, $0x38;
	[tilespmem:$0x13E80] =	vst v63  }
0xc: {  	_ =	swait.ge [sflag:s9], $0x2780  }
0xd: {  	s14 =	simm.s32 $0x11720;
	[sflag:s9] =	ssyncset.done $0x0  }
0xe: {  	s15 =	simm.s32 $0xEFA0;
	s16 =	simm.s32 $0x0;
	[sflag:s9] =	ssyncadd.s32 $0xFFFFD880  }
.LBB2_2:
0xf: {  	s17 =	smul.u32 $0x32, s16;
	_ =	sdelay $0x1  }
0x10: {  	s17 =	sadd.s32 s6, s17  }
0x11: {  	s17 =	sshll.u32 s17, $0x7  }
0x12: {  	s18 =	sadd.s32 s4, s17;
	s17 =	simm.s32 $0x0  }
0x13: {  	[tilespmem:s10], [sflag:$0x1] =	stream.linear.gather [hbm4b:s18+s17], $0xC800, $0x38;
	[tilespmem:$0x13E80] =	vst v63  }
0x14: {  	_ =	swait.ge [sflag:s9], $0xC800  }
0x15: {  	s19 =	smov.u32 s15;
	[sflag:s9] =	ssyncset.done $0x0  }
0x16: {  	s20 =	smov.u32 s14;
	s18 =	simm.s32 $0xFFFFFFFB;
	[sflag:s9] =	ssyncadd.s32 $0xFFFF3800  }
.LBB2_3:
0x17: {  	v3 =	vmov s17  }
0x18: {  	v3 =	vshll.u32 v3, $0xA  }
0x19: {  	v3 =	vor.u32 v1, v3  }
0x1a: {  	v4 =	vor.u32 v0, v3;
	_ =	sdelay $0x4  }
0x1b: {  	v4 =	vld.idx.msk [tilespmem:v4+s10+$0x0], $0xffff  }
0x1c: {  	v3 =	vor.u32 v2, v3;
	_ =	sdelay $0x4  }
0x1d: {  	v3 =	vld.idx.msk [tilespmem:v3+s10+$0x0], $0xffff;
	_ =	sdelay $0x1  }
0x1e: {  	v4 =	vld.idx.msk [tilespmem:v4+s3+$0x0], $0xffff;
	_ =	sdelay $0x2  }
0x1f: {  	s21 =	sadd.s32 $0x2, s17  }
0x20: {  	v5 =	vmov s21  }
0x21: {  	v55 =	vshll.u32 v5, $0xA;
	[tilespmem:s19+$0xFFFFFFE0] =	vst v4  }
0x22: {  	v4 =	vor.u32 v1, v55;
	v3 =	vld.idx.msk [tilespmem:v3+s3+$0x0], $0xffff  }
0x23: {  	v56 =	vor.u32 v0, v4;
	_ =	sdelay $0x3  }
0x24: {  	[tilespmem:s20+$0xFFFFFFE0] =	vst v3  }
0x25: {  	v3 =	vld.idx.msk [tilespmem:v56+s10+$0x0], $0xffff  }
0x26: {  	v4 =	vor.u32 v2, v4;
	_ =	sdelay $0x4  }
0x27: {  	v4 =	vld.idx.msk [tilespmem:v4+s10+$0x0], $0xffff;
	_ =	sdelay $0x1  }
0x28: {  	v3 =	vld.idx.msk [tilespmem:v3+s3+$0x0], $0xffff;
	_ =	sdelay $0x2  }
0x29: {  	s29 =	sadd.s32 $0x4, s17  }
0x2a: {  	v57 =	vmov s29  }
0x2b: {  	[tilespmem:s19+$0xFFFFFFF0] =	vst v3;
	v3 =	vshll.u32 v57, $0xA  }
0x2c: {  	v4 =	vld.idx.msk [tilespmem:v4+s3+$0x0], $0xffff;
	v3 =	vor.u32 v1, v3  }
0x2d: {  	v58 =	vor.u32 v0, v3;
	_ =	sdelay $0x3  }
0x2e: {  	[tilespmem:s20+$0xFFFFFFF0] =	vst v4  }
0x2f: {  	v4 =	vld.idx.msk [tilespmem:v58+s10+$0x0], $0xffff  }
0x30: {  	v3 =	vor.u32 v2, v3;
	_ =	sdelay $0x4  }
0x31: {  	v3 =	vld.idx.msk [tilespmem:v3+s10+$0x0], $0xffff;
	_ =	sdelay $0x1  }
0x32: {  	v4 =	vld.idx.msk [tilespmem:v4+s3+$0x0], $0xffff;
	_ =	sdelay $0x2  }
0x33: {  	s30 =	sadd.s32 $0x6, s17  }
0x34: {  	v59 =	vmov s30  }
0x35: {  	v60 =	vshll.u32 v59, $0xA;
	[tilespmem:s19+$0x0] =	vst v4  }
0x36: {  	v4 =	vor.u32 v1, v60;
	v3 =	vld.idx.msk [tilespmem:v3+s3+$0x0], $0xffff  }
0x37: {  	v61 =	vor.u32 v0, v4;
	_ =	sdelay $0x3  }
0x38: {  	[tilespmem:s20+$0x0] =	vst v3  }
0x39: {  	v3 =	vld.idx.msk [tilespmem:v61+s10+$0x0], $0xffff  }
0x3a: {  	v4 =	vor.u32 v2, v4;
	_ =	sdelay $0x4  }
0x3b: {  	v4 =	vld.idx.msk [tilespmem:v4+s10+$0x0], $0xffff;
	_ =	sdelay $0x1  }
0x3c: {  	v3 =	vld.idx.msk [tilespmem:v3+s3+$0x0], $0xffff;
	_ =	sdelay $0x2  }
0x3d: {  	s31 =	sadd.s32 $0x8, s17  }
0x3e: {  	v62 =	vmov s31  }
0x3f: {  	[tilespmem:s19+$0x10] =	vst v3;
	v3 =	vshll.u32 v62, $0xA  }
0x40: {  	v4 =	vld.idx.msk [tilespmem:v4+s3+$0x0], $0xffff;
	v3 =	vor.u32 v1, v3  }
0x41: {  	v63 =	vor.u32 v0, v3;
	_ =	sdelay $0x3  }
0x42: {  	[tilespmem:s20+$0x10] =	vst v4  }
0x43: {  	v4 =	vld.idx.msk [tilespmem:v63+s10+$0x0], $0xffff  }
0x44: {  	v3 =	vor.u32 v2, v3;
	_ =	sdelay $0x4  }
0x45: {  	v3 =	vld.idx.msk [tilespmem:v3+s10+$0x0], $0xffff;
	_ =	sdelay $0x1  }
0x46: {  	v4 =	vld.idx.msk [tilespmem:v4+s3+$0x0], $0xffff;
	_ =	sdelay $0x4  }
0x47: {  	s18 =	sadd.s32 $0x5, s18;
	[tilespmem:s19+$0x20] =	vst v4  }
0x48: {  	p0 =	slt.u32 s18, $0x14;
	v3 =	vld.idx.msk [tilespmem:v3+s3+$0x0], $0xffff  }
.Ltmp0:
0x49: {  	_ = 	snop;
	(pc) =	sbr.rel @p0 .LBB2_3-.Ltmp0, $2  }
0x4a: {  	_ =	sdelay $0x2  }
0x4b: {  	s17 =	sadd.s32 $0xA, s17;
	s19 =	sadd.s32 $0x50, s19;
	[tilespmem:s20+$0x20] =	vst v3;
	s20 =	sadd.s32 $0x50, s20  }
0x4c: {  	s16 =	sadd.s32 $0x1, s16  }
0x4d: {  	p0 =	sne.s32 s16, $0x19  }
.Ltmp1:
0x4e: {  	_ = 	snop;
	(pc) =	sbr.rel @p0 .LBB2_2-.Ltmp1, $2  }
0x4f: {  	_ =	sdelay $0x2  }
0x50: {  	s14 =	sadd.s32 $0x190, s14;
	s15 =	sadd.s32 $0x190, s15  }
0x51: {  	[hbm4b:s5+s3] =	stream.linear.scatter [tilespmem:s11], [sflag:$0x1], $0x2710, $0x38;
	[tilespmem:$0x13E80] =	vst v63  }
0x52: {  	s13 =	sadd.s32 $0x1, s13;
	_ =	swait.ge [sflag:s9], $0x2710  }
0x53: {  	p0 =	sne.s32 s13, s8;
	[sflag:s9] =	ssyncset.done $0x0  }
.Ltmp2:
0x54: {  	[sflag:s9] =	ssyncadd.s32 $0xFFFFD8F0;
	(pc) =	sbr.rel @p0 .LBB2_1-.Ltmp2, $4  }
0x55: {  	[hbm4b:s7+s3] =	stream.linear.scatter [tilespmem:s12], [sflag:$0x1], $0x2710, $0x38;
	[tilespmem:$0x13E80] =	vst v63  }
0x56: {  	_ =	swait.ge [sflag:s9], $0x2710  }
0x57: {  	[sflag:s9] =	ssyncset.done $0x0  }
0x58: {  	[sflag:s9] =	ssyncadd.s32 $0xFFFFD8F0  }
0x59: {  	_ =	sfence.sel $0x180000  }
0x5a: {  	[bflag:$0x0] =	sbarrier.arrive $0xFFFF  }
0x5b: {  	p0 =	sne.s32 s0, $0x0;
	_ =	strace $0x90000047  }
0x5c: {  	s0 =	sadd.s32 @!p0 $0x100000, s2;
	[bflag:$0x2] =	sbarrier.arrive $0xFFFF  }
0x5d: {  	[sflag:s0] =	ssyncadd.tile.s32 @!p0 $0x1;
	_ =	shalt  }
.Lfunc_end2:
_tile_overlayer_lowered:
.L_overlay_start_2:
0x5e: {  	(tag) =	ssettag $0x2  }
0x5f: {  	s0 =	rddreg [dreg:$0x0];
	s2 =	stileid.u32  }
0x60: {  	s1 =	rddreg [dreg:$0x1];
	p0 =	sne.s32 s2, $0x0  }
0x61: {  	s3 =	rddreg [dreg:$0x2];
	[bflag:$0x3] =	sbarrier.arrive $0xFFFF;
	s2 =	simm.s32 @!p0 $0x1C01  }
0x62: {  	[timem:s3], [sflag:s2] =	dma.local @!p0 [hbm:s0], s1  }
0x63: {  	s0 =	simm.s32 @!p0 $0x1  }
0x64: {  	_ =	swait.ge @!p0 [sflag:s0], s1  }
0x65: {  	s1 =	ssub.s32 @!p0 $0x0, s1;
	[sflag:s0] =	ssyncset.done @!p0 $0x0  }
0x66: {  	[sflag:s0] =	ssyncadd.s32 @!p0 s1  }
0x67: {  	[bflag:$0x3] =	sbarrier.arrive $0xFFFF  }
0x68: {  	_ =	shalt  }

</sc_bundles>
